<compile_context>
chip_gen: v7x
topology: tpu7x:2x2x1
jax: 0.10.2.dev20260603
libtpu: 0.0.44.dev20260713+nightly
codegen_flags: <defaults>
</compile_context>

<pallas_src>
import functools

import jax
import jax.numpy as jnp
from jax import lax
from jax.experimental import pallas as pl
from jax.experimental.pallas import tpu as pltpu
from jax.experimental.pallas import tpu_sc as plsc

NC = 2
NS = 16
NW = NC * NS
D = 128
CHUNK = 256
SLAB_CHUNKS = 8
SLAB = CHUNK * SLAB_CHUNKS


@functools.partial(jax.jit, static_argnums=(2,))
def _emb_sc(m_flat, table, b):
    rows_per_w = b // NW
    slabs = rows_per_w // SLAB
    mesh = plsc.VectorSubcoreMesh(
        core_axis_name="c", subcore_axis_name="s",
        num_cores=NC, num_subcores=NS)

    @functools.partial(
        pl.kernel,
        out_type=jax.ShapeDtypeStruct((b, D), jnp.float32),
        mesh=mesh,
        compiler_params=pltpu.CompilerParams(needs_layout_passes=False),
        scratch_types=[
            pltpu.VMEM((10, D), jnp.float32),
            pltpu.VMEM((SLAB,), jnp.int32),
            pltpu.VMEM((CHUNK, D), jnp.float32),
            pltpu.VMEM((CHUNK, D), jnp.float32),
            pltpu.SemaphoreType.DMA,
            pltpu.SemaphoreType.DMA,
        ],
    )
    def k(m_hbm, table_hbm, out_hbm, tab_v, idx_v, ob0, ob1, ws0, ws1):
        wid = lax.axis_index("s") * NC + lax.axis_index("c")
        row0 = wid * rows_per_w
        pltpu.sync_copy(table_hbm, tab_v)
        lane = lax.iota(jnp.int32, 16)
        bufs = (ob0, ob1)
        sems = (ws0, ws1)

        def expand_chunk(cc, ob):
            @plsc.parallel_loop(0, CHUNK // 16)
            def g_body(g):
                idx16 = idx_v[pl.ds(cc * CHUNK + g * 16, 16)]
                row16 = g * 16 + lane

                @plsc.parallel_loop(0, D, unroll=8)
                def c_body(c):
                    cvec = jnp.zeros((16,), jnp.int32) + c
                    vals = plsc.load_gather(tab_v, [idx16, cvec])
                    plsc.store_scatter(ob, [row16, cvec], vals)

        def slab_body(s, _):
            pltpu.sync_copy(m_hbm.at[pl.ds(row0 + s * SLAB, SLAB)], idx_v)

            def pair_body(p, _):
                for bsel in range(2):
                    cc = p * 2 + bsel
                    ob, ws = bufs[bsel], sems[bsel]
                    rbase = row0 + s * SLAB + cc * CHUNK
                    dst = out_hbm.at[pl.ds(rbase, CHUNK)]

                    @pl.when(s + p > 0)
                    def _():
                        pltpu.make_async_copy(ob, dst, ws).wait()

                    expand_chunk(cc, ob)
                    pltpu.async_copy(ob, dst, ws)
                return 0

            lax.fori_loop(0, SLAB_CHUNKS // 2, pair_body, 0)
            return 0

        lax.fori_loop(0, slabs, slab_body, 0)
        tail = row0 + rows_per_w - 2 * CHUNK
        for bsel in range(2):
            dst = out_hbm.at[pl.ds(tail + bsel * CHUNK, CHUNK)]
            pltpu.make_async_copy(bufs[bsel], dst, sems[bsel]).wait()

    return k(m_flat, table)


def kernel(m, table):
    b = m.shape[0] * m.shape[1]
    m_flat = m.reshape(b).astype(jnp.int32)
    out = _emb_sc(m_flat, table, b)
    return out.reshape(m.shape[0], m.shape[1], D)

# --- scband reference (transcript-rebuilt; emitter-appended) ---
"""Pipeline reference for scband-m-emb-block-73521250173266 (READ-ONLY COPY).

The authoritative reference and input builder live on the scoring server;
editing this copy changes nothing except your own understanding.
"""

import jax, jax.numpy as jnp
import numpy as np


def setup_inputs(seed: int = 0) -> dict:
    key = jax.random.key(seed)
    k1, k2 = jax.random.split(key)
    m = jax.random.randint(k1, (16384, 200), 0, 10, dtype=jnp.int64)
    # embedding table: nn.Embedding(10, num_variables=128)
    table = jax.random.normal(k2, (10, 128), dtype=jnp.float32)
    return {"m": m, "table": table}


def reference(m, table):
    # nn.Sequential(nn.Embedding(10, num_variables))(m) == table[m]
    return jnp.take(table, m, axis=0)

if __name__ == "__main__":
    import jax
    _d = setup_inputs()
    print(jax.jit(kernel)(*tuple(_d.values())))

</pallas_src>

<mosaic_0001>
#map = affine_map<(d0, d1) -> (0)>
#map1 = affine_map<(d0, d1) -> (0, 0)>
module attributes {stable_mosaic.version = 14 : i64} {
  func.func @k(%arg0: i32, %arg1: i32, %arg2: memref<3276800xi32, #tpu.memory_space<hbm>>, %arg3: memref<10x128xf32, #tpu.memory_space<hbm>>, %arg4: memref<3276800x128xf32, #tpu.memory_space<hbm>>, %arg5: memref<10x128xf32, #tpu.memory_space<vmem>>, %arg6: memref<2048xi32, #tpu.memory_space<vmem>>, %arg7: memref<256x128xf32, #tpu.memory_space<vmem>>, %arg8: memref<256x128xf32, #tpu.memory_space<vmem>>, %arg9: memref<!tpu.dma_semaphore, #tpu.memory_space<semaphore_mem>>, %arg10: memref<!tpu.dma_semaphore, #tpu.memory_space<semaphore_mem>>) attributes {dimension_semantics = [#tpu.dimension_semantics<core_parallel>, #tpu.dimension_semantics<subcore_parallel>], iteration_bounds = array<i64: 2, 16>, scalar_prefetch = 0 : i64, scratch_operands = 6 : i64, tpu.core_type = #tpu.core_type<sc_vector_subcore>, window_params = [{transform_indices = #map}, {transform_indices = #map1}, {transform_indices = #map1}]} {
    %mul3A = arith.constant 2 : i32
    %mul3A_0 = arith.muli %arg1, %mul3A : i32
    %add3A = arith.addi %mul3A_0, %arg0 : i32
    %mul3A_1 = arith.constant 102400 : i32
    %mul3A_2 = arith.muli %add3A, %mul3A_1 : i32
    "tpu.region"() ({
      %run_scoped3A = tpu.sem_alloc : memref<!tpu.dma_semaphore, #tpu.memory_space<semaphore_mem>>
      tpu.enqueue_dma source(%arg3 : memref<10x128xf32, #tpu.memory_space<hbm>>) target(%arg5 : memref<10x128xf32, #tpu.memory_space<vmem>>) target_semaphore(%run_scoped3A : memref<!tpu.dma_semaphore, #tpu.memory_space<semaphore_mem>>)
      tpu.wait_dma2 semaphore(%run_scoped3A : memref<!tpu.dma_semaphore, #tpu.memory_space<semaphore_mem>>) src(%arg3 : memref<10x128xf32, #tpu.memory_space<hbm>>) dst(%arg5 : memref<10x128xf32, #tpu.memory_space<vmem>>)
      tpu.yield
    }) : () -> ()
    %iota3A = tpu.iota {dimensions = array<i32: 0>} : vector<16xi32>
    %scan3A = arith.constant 0 : i32
    %scan3A_3 = arith.constant 0 : i32
    %scan3A_4 = arith.constant 50 : i32
    %scan3A_5 = arith.addi %scan3A_3, %scan3A_4 : i32
    %scan3A_6 = arith.constant 1 : i32
    %scan3A_7 = scf.for %scan3A_23 = %scan3A_3 to %scan3A_5 step %scan3A_6 iter_args(%scan3A_24 = %scan3A) -> (i32)  : i32 {
      %mul3A_25 = arith.constant 2048 : i32
      %mul3A_26 = arith.muli %scan3A_23, %mul3A_25 : i32
      %add3A_27 = arith.addi %mul3A_2, %mul3A_26 : i32
      "tpu.region"() ({
        %run_scoped3A = tpu.sem_alloc : memref<!tpu.dma_semaphore, #tpu.memory_space<semaphore_mem>>
        %dma_start3A = tpu.memref_slice %arg2[%add3A_27] : memref<3276800xi32, #tpu.memory_space<hbm>> -> memref<2048xi32, #tpu.memory_space<hbm>>
        %dma_start3A_36 = tpu.memref_slice %arg2[%add3A_27] : memref<3276800xi32, #tpu.memory_space<hbm>> -> memref<2048xi32, #tpu.memory_space<hbm>>
        tpu.enqueue_dma source(%dma_start3A_36 : memref<2048xi32, #tpu.memory_space<hbm>>) target(%arg6 : memref<2048xi32, #tpu.memory_space<vmem>>) target_semaphore(%run_scoped3A : memref<!tpu.dma_semaphore, #tpu.memory_space<semaphore_mem>>)
        %dma_wait3A_37 = tpu.memref_slice %arg2[%add3A_27] : memref<3276800xi32, #tpu.memory_space<hbm>> -> memref<2048xi32, #tpu.memory_space<hbm>>
        %dma_wait3A_38 = tpu.memref_slice %arg2[%add3A_27] : memref<3276800xi32, #tpu.memory_space<hbm>> -> memref<2048xi32, #tpu.memory_space<hbm>>
        tpu.wait_dma2 semaphore(%run_scoped3A : memref<!tpu.dma_semaphore, #tpu.memory_space<semaphore_mem>>) src(%dma_wait3A_38 : memref<2048xi32, #tpu.memory_space<hbm>>) dst(%arg6 : memref<2048xi32, #tpu.memory_space<vmem>>)
        tpu.yield
      }) : () -> ()
      %scan3A_28 = arith.constant 0 : i32
      %scan3A_29 = arith.constant 0 : i32
      %scan3A_30 = arith.constant 4 : i32
      %scan3A_31 = arith.addi %scan3A_29, %scan3A_30 : i32
      %scan3A_32 = arith.constant 1 : i32
      %scan3A_33 = scf.for %scan3A_36 = %scan3A_29 to %scan3A_31 step %scan3A_32 iter_args(%scan3A_37 = %scan3A_28) -> (i32)  : i32 {
        %mul3A_38 = arith.constant 2 : i32
        %mul3A_39 = arith.muli %scan3A_36, %mul3A_38 : i32
        %add3A_40 = arith.constant 0 : i32
        %add3A_41 = arith.addi %mul3A_39, %add3A_40 : i32
        %mul3A_42 = arith.constant 2048 : i32
        %mul3A_43 = arith.muli %scan3A_23, %mul3A_42 : i32
        %add3A_44 = arith.addi %mul3A_2, %mul3A_43 : i32
        %mul3A_45 = arith.constant 256 : i32
        %mul3A_46 = arith.muli %add3A_41, %mul3A_45 : i32
        %add3A_47 = arith.addi %add3A_44, %mul3A_46 : i32
        %add3A_48 = arith.addi %scan3A_23, %scan3A_36 : i32
        %gt3A = arith.constant 0 : i32
        %gt3A_49 = arith.cmpi sgt, %add3A_48, %gt3A : i32
        %convert_element_type3A = arith.extui %gt3A_49 : i1 to i32
        %cond3A = arith.constant 0 : i32
        %cond3A_50 = arith.cmpi ne, %convert_element_type3A, %cond3A : i32
        scf.if %cond3A_50 {
          %dma_wait3A_80 = arith.constant 0 : i32
          %dma_wait3A_81 = tpu.memref_slice %arg4[%add3A_47, %dma_wait3A_80] : memref<3276800x128xf32, #tpu.memory_space<hbm>> -> memref<256x128xf32, #tpu.memory_space<hbm>>
          %dma_wait3A_82 = arith.constant 0 : i32
          %dma_wait3A_83 = tpu.memref_slice %arg4[%add3A_47, %dma_wait3A_82] : memref<3276800x128xf32, #tpu.memory_space<hbm>> -> memref<256x128xf32, #tpu.memory_space<hbm>>
          tpu.wait_dma2 semaphore(%arg9 : memref<!tpu.dma_semaphore, #tpu.memory_space<semaphore_mem>>) src(%arg7 : memref<256x128xf32, #tpu.memory_space<vmem>>) dst(%dma_wait3A_83 : memref<256x128xf32, #tpu.memory_space<hbm>>)
        } else {
        }
        %parallel_loop3A = arith.constant 0 : i32
        %parallel_loop3A_51 = arith.constant 16 : i32
        %parallel_loop3A_52 = arith.constant 1 : i32
        scf.for %parallel_loop3A_80 = %parallel_loop3A to %parallel_loop3A_51 step %parallel_loop3A_52  : i32 {
          %parallel_loop3A_81 = arith.constant 256 : i32
          %parallel_loop3A_82 = arith.muli %add3A_41, %parallel_loop3A_81 : i32
          %parallel_loop3A_83 = arith.constant 16 : i32
          %parallel_loop3A_84 = arith.muli %parallel_loop3A_80, %parallel_loop3A_83 : i32
          %parallel_loop3A_85 = arith.addi %parallel_loop3A_82, %parallel_loop3A_84 : i32
          %parallel_loop3A_86 = arith.index_cast %parallel_loop3A_85 : i32 to index
          %parallel_loop3A_87 = tpu.vector_load %arg6[%parallel_loop3A_86] {strides = array<i32>} : memref<2048xi32, #tpu.memory_space<vmem>>, vector<16xi32>,
          %parallel_loop3A_88 = arith.constant 16 : i32
          %parallel_loop3A_89 = arith.muli %parallel_loop3A_80, %parallel_loop3A_88 : i32
          %parallel_loop3A_90 = vector.broadcast %parallel_loop3A_89 : i32 to vector<16xi32>
          %parallel_loop3A_91 = arith.addi %parallel_loop3A_90, %iota3A : vector<16xi32>
          %parallel_loop3A_92 = arith.constant 0 : i32
          %parallel_loop3A_93 = arith.constant 128 : i32
          %parallel_loop3A_94 = arith.constant 1 : i32
          scf.for %parallel_loop3A_95 = %parallel_loop3A_92 to %parallel_loop3A_93 step %parallel_loop3A_94  : i32 {
            %parallel_loop3A_96 = arith.constant 0 : i32
            %parallel_loop3A_97 = vector.broadcast %parallel_loop3A_96 : i32 to vector<16xi32>
            %parallel_loop3A_98 = vector.broadcast %parallel_loop3A_95 : i32 to vector<16xi32>
            %parallel_loop3A_99 = arith.addi %parallel_loop3A_97, %parallel_loop3A_98 : vector<16xi32>
            %parallel_loop3A_100 = tpu.vector_load_idx %arg5[%parallel_loop3A_87, %parallel_loop3A_99] : memref<10x128xf32, #tpu.memory_space<vmem>>[vector<16xi32>, vector<16xi32>], vector<16xf32>,
            tpu.vector_store_idx %arg7[%parallel_loop3A_91, %parallel_loop3A_99], %parallel_loop3A_100 : memref<256x128xf32, #tpu.memory_space<vmem>>[vector<16xi32>, vector<16xi32>], vector<16xf32>,
          } {sc.loop_unroll_factor = 8 : i64, sc.parallel_access}
        } {sc.loop_unroll_factor = 1 : i64, sc.parallel_access}
        %dma_start3A = arith.constant 0 : i32
        %dma_start3A_53 = tpu.memref_slice %arg4[%add3A_47, %dma_start3A] : memref<3276800x128xf32, #tpu.memory_space<hbm>> -> memref<256x128xf32, #tpu.memory_space<hbm>>
        %dma_start3A_54 = arith.constant 0 : i32
        %dma_start3A_55 = tpu.memref_slice %arg4[%add3A_47, %dma_start3A_54] : memref<3276800x128xf32, #tpu.memory_space<hbm>> -> memref<256x128xf32, #tpu.memory_space<hbm>>
        tpu.enqueue_dma source(%arg7 : memref<256x128xf32, #tpu.memory_space<vmem>>) target(%dma_start3A_55 : memref<256x128xf32, #tpu.memory_space<hbm>>) target_semaphore(%arg9 : memref<!tpu.dma_semaphore, #tpu.memory_space<semaphore_mem>>)
        %mul3A_56 = arith.constant 2 : i32
        %mul3A_57 = arith.muli %scan3A_36, %mul3A_56 : i32
        %add3A_58 = arith.constant 1 : i32
        %add3A_59 = arith.addi %mul3A_57, %add3A_58 : i32
        %mul3A_60 = arith.constant 2048 : i32
        %mul3A_61 = arith.muli %scan3A_23, %mul3A_60 : i32
        %add3A_62 = arith.addi %mul3A_2, %mul3A_61 : i32
        %mul3A_63 = arith.constant 256 : i32
        %mul3A_64 = arith.muli %add3A_59, %mul3A_63 : i32
        %add3A_65 = arith.addi %add3A_62, %mul3A_64 : i32
        %add3A_66 = arith.addi %scan3A_23, %scan3A_36 : i32
        %gt3A_67 = arith.constant 0 : i32
        %gt3A_68 = arith.cmpi sgt, %add3A_66, %gt3A_67 : i32
        %convert_element_type3A_69 = arith.extui %gt3A_68 : i1 to i32
        %cond3A_70 = arith.constant 0 : i32
        %cond3A_71 = arith.cmpi ne, %convert_element_type3A_69, %cond3A_70 : i32
        scf.if %cond3A_71 {
          %dma_wait3A_80 = arith.constant 0 : i32
          %dma_wait3A_81 = tpu.memref_slice %arg4[%add3A_65, %dma_wait3A_80] : memref<3276800x128xf32, #tpu.memory_space<hbm>> -> memref<256x128xf32, #tpu.memory_space<hbm>>
          %dma_wait3A_82 = arith.constant 0 : i32
          %dma_wait3A_83 = tpu.memref_slice %arg4[%add3A_65, %dma_wait3A_82] : memref<3276800x128xf32, #tpu.memory_space<hbm>> -> memref<256x128xf32, #tpu.memory_space<hbm>>
          tpu.wait_dma2 semaphore(%arg10 : memref<!tpu.dma_semaphore, #tpu.memory_space<semaphore_mem>>) src(%arg8 : memref<256x128xf32, #tpu.memory_space<vmem>>) dst(%dma_wait3A_83 : memref<256x128xf32, #tpu.memory_space<hbm>>)
        } else {
        }
        %parallel_loop3A_72 = arith.constant 0 : i32
        %parallel_loop3A_73 = arith.constant 16 : i32
        %parallel_loop3A_74 = arith.constant 1 : i32
        scf.for %parallel_loop3A_80 = %parallel_loop3A_72 to %parallel_loop3A_73 step %parallel_loop3A_74  : i32 {
          %parallel_loop3A_81 = arith.constant 256 : i32
          %parallel_loop3A_82 = arith.muli %add3A_59, %parallel_loop3A_81 : i32
          %parallel_loop3A_83 = arith.constant 16 : i32
          %parallel_loop3A_84 = arith.muli %parallel_loop3A_80, %parallel_loop3A_83 : i32
          %parallel_loop3A_85 = arith.addi %parallel_loop3A_82, %parallel_loop3A_84 : i32
          %parallel_loop3A_86 = arith.index_cast %parallel_loop3A_85 : i32 to index
          %parallel_loop3A_87 = tpu.vector_load %arg6[%parallel_loop3A_86] {strides = array<i32>} : memref<2048xi32, #tpu.memory_space<vmem>>, vector<16xi32>,
          %parallel_loop3A_88 = arith.constant 16 : i32
          %parallel_loop3A_89 = arith.muli %parallel_loop3A_80, %parallel_loop3A_88 : i32
          %parallel_loop3A_90 = vector.broadcast %parallel_loop3A_89 : i32 to vector<16xi32>
          %parallel_loop3A_91 = arith.addi %parallel_loop3A_90, %iota3A : vector<16xi32>
          %parallel_loop3A_92 = arith.constant 0 : i32
          %parallel_loop3A_93 = arith.constant 128 : i32
          %parallel_loop3A_94 = arith.constant 1 : i32
          scf.for %parallel_loop3A_95 = %parallel_loop3A_92 to %parallel_loop3A_93 step %parallel_loop3A_94  : i32 {
            %parallel_loop3A_96 = arith.constant 0 : i32
            %parallel_loop3A_97 = vector.broadcast %parallel_loop3A_96 : i32 to vector<16xi32>
            %parallel_loop3A_98 = vector.broadcast %parallel_loop3A_95 : i32 to vector<16xi32>
            %parallel_loop3A_99 = arith.addi %parallel_loop3A_97, %parallel_loop3A_98 : vector<16xi32>
            %parallel_loop3A_100 = tpu.vector_load_idx %arg5[%parallel_loop3A_87, %parallel_loop3A_99] : memref<10x128xf32, #tpu.memory_space<vmem>>[vector<16xi32>, vector<16xi32>], vector<16xf32>,
            tpu.vector_store_idx %arg8[%parallel_loop3A_91, %parallel_loop3A_99], %parallel_loop3A_100 : memref<256x128xf32, #tpu.memory_space<vmem>>[vector<16xi32>, vector<16xi32>], vector<16xf32>,
          } {sc.loop_unroll_factor = 8 : i64, sc.parallel_access}
        } {sc.loop_unroll_factor = 1 : i64, sc.parallel_access}
        %dma_start3A_75 = arith.constant 0 : i32
        %dma_start3A_76 = tpu.memref_slice %arg4[%add3A_65, %dma_start3A_75] : memref<3276800x128xf32, #tpu.memory_space<hbm>> -> memref<256x128xf32, #tpu.memory_space<hbm>>
        %dma_start3A_77 = arith.constant 0 : i32
        %dma_start3A_78 = tpu.memref_slice %arg4[%add3A_65, %dma_start3A_77] : memref<3276800x128xf32, #tpu.memory_space<hbm>> -> memref<256x128xf32, #tpu.memory_space<hbm>>
        tpu.enqueue_dma source(%arg8 : memref<256x128xf32, #tpu.memory_space<vmem>>) target(%dma_start3A_78 : memref<256x128xf32, #tpu.memory_space<hbm>>) target_semaphore(%arg10 : memref<!tpu.dma_semaphore, #tpu.memory_space<semaphore_mem>>)
        %scan3A_79 = arith.constant 0 : i32
        scf.yield %scan3A_79 : i32
      }
      %scan3A_34 = arith.constant 4 : i32
      %scan3A_35 = arith.constant 0 : i32
      scf.yield %scan3A_35 : i32
    }
    %scan3A_8 = arith.constant 50 : i32
    %add3A_9 = arith.constant 102400 : i32
    %add3A_10 = arith.addi %mul3A_2, %add3A_9 : i32
    %sub3A = arith.constant 512 : i32
    %sub3A_11 = arith.subi %add3A_10, %sub3A : i32
    %add3A_12 = arith.constant 0 : i32
    %add3A_13 = arith.addi %sub3A_11, %add3A_12 : i32
    %dma_wait3A = arith.constant 0 : i32
    %dma_wait3A_14 = tpu.memref_slice %arg4[%add3A_13, %dma_wait3A] : memref<3276800x128xf32, #tpu.memory_space<hbm>> -> memref<256x128xf32, #tpu.memory_space<hbm>>
    %dma_wait3A_15 = arith.constant 0 : i32
    %dma_wait3A_16 = tpu.memref_slice %arg4[%add3A_13, %dma_wait3A_15] : memref<3276800x128xf32, #tpu.memory_space<hbm>> -> memref<256x128xf32, #tpu.memory_space<hbm>>
    tpu.wait_dma2 semaphore(%arg9 : memref<!tpu.dma_semaphore, #tpu.memory_space<semaphore_mem>>) src(%arg7 : memref<256x128xf32, #tpu.memory_space<vmem>>) dst(%dma_wait3A_16 : memref<256x128xf32, #tpu.memory_space<hbm>>)
    %add3A_17 = arith.constant 256 : i32
    %add3A_18 = arith.addi %sub3A_11, %add3A_17 : i32
    %dma_wait3A_19 = arith.constant 0 : i32
    %dma_wait3A_20 = tpu.memref_slice %arg4[%add3A_18, %dma_wait3A_19] : memref<3276800x128xf32, #tpu.memory_space<hbm>> -> memref<256x128xf32, #tpu.memory_space<hbm>>
    %dma_wait3A_21 = arith.constant 0 : i32
    %dma_wait3A_22 = tpu.memref_slice %arg4[%add3A_18, %dma_wait3A_21] : memref<3276800x128xf32, #tpu.memory_space<hbm>> -> memref<256x128xf32, #tpu.memory_space<hbm>>
    tpu.wait_dma2 semaphore(%arg10 : memref<!tpu.dma_semaphore, #tpu.memory_space<semaphore_mem>>) src(%arg8 : memref<256x128xf32, #tpu.memory_space<vmem>>) dst(%dma_wait3A_22 : memref<256x128xf32, #tpu.memory_space<hbm>>)
    return
  }
}

</mosaic_0001>

<sc_bundles>
// kernel: _emb_sc.3.cloned.1.call-start
scs
__scs_entry_jumppad:
0x0: {  	(pc) =	sbr.rel $0x88, $3  }
0x1: {  	(tag) =	ssettag $0x0;
	lr =	simm.s32 $0x1  }
0x2: {  	[smem:$0x3F9F] =	sst lr;
	_ =	strace $0xD0000000  }
0x3: {  	_ = 	snop  }
0x4: {  	_ = 	snop  }
0x5: {  	_ = 	snop  }
0x6: {  	_ = 	snop  }
0x7: {  	_ = 	snop  }
__scs_overlays_trampoline_lowered:
0x8: {  	[smem:$0x3FAE] =	sst s0  }
0x9: {  	[smem:$0x3FAF] =	sst s1  }
0xa: {  	[smem:$0x3FB0] =	sst s2  }
0xb: {  	[smem:$0x3FB1] =	sst s3  }
0xc: {  	[smem:$0x3FB2] =	sst s4  }
0xd: {  	[smem:$0x3FB3] =	sst s5  }
0xe: {  	[smem:$0x3FB4] =	sst s6  }
0xf: {  	[smem:$0x3FB5] =	sst s7  }
0x10: {  	[smem:$0x3FB6] =	sst s8  }
0x11: {  	[smem:$0x3FB7] =	sst s9;
	s0 =	simm.s32 @!p0 $0x0  }
0x12: {  	s1 =	sld [smem:$0x3F9D];
	s0 =	simm.s32 @p0 $0x1  }
0x13: {  	[smem:$0x3FB8] =	sst s0;
	s0 =	simm.s32 @!p1 $0x0  }
0x14: {  	s2 =	sld [smem:$0x3F9C];
	s0 =	simm.s32 @p1 $0x1  }
0x15: {  	[smem:$0x3FB9] =	sst s0;
	s0 =	simm.s32 @!p2 $0x0  }
0x16: {  	s3 =	sld [smem:$0x3FDB];
	s0 =	simm.s32 @p2 $0x1  }
0x17: {  	s4 =	simm.s32 $0x1BF5;
	[smem:$0x3FBB] =	sst s0  }
0x18: {  	s0 =	sld [smem:$0x3F9E];
	_ =	swait.ge [sflag:s4], $0x0  }
0x19: {  	s7 =	sld [smem:$0x3F9F]  }
0x1a: {  	s8 =	sadd.s32 $0xFFFFE003, lr  }
0x1b: {  	s9 =	sadd.s32 $0xFFFFFEF7, lr;
	s5 =	simm.s32 $0xFFFFFFFF;
	p2 =	slt.u32 s8, $0xFFFFF086  }
0x1c: {  	p1 =	slt.u32 s9, $0xF7A;
	s5 =	simm.s32 @!p2 $0x0  }
0x1d: {  	s5 =	simm.s32 @p1 $0x1;
	p0 =	seq.s32 s7, s2  }
0x1e: {  	s7 =	smul.u32 @!p0 $0xF7A, s2;
	p2 =	seq.s32 @!p0 s5, $0x0  }
0x1f: {  	s9 =	smul.u32 $0xF7A, s1;
	s8 =	simm.s32 @!p0 $0x1BF5;
	p2 =	por !p2, p0  }
0x20: {  	[sflag:s8] =	ssyncset.s32 @!p0 $0xFFFFF086;
	s6 =	sadd.s32 @!p0 s3, s7;
	s7 =	simm.s32 @!p0 $0x108  }
0x21: {  	s3 =	sadd.s32 s3, s9;
	s6 =	sadd.s32 @!p0 $0x88, s6;
	s7 =	simm.s32 @p2 $0x1082  }
0x22: {  	[simem:s7], [sflag:s8] =	dma.local @!p0 [hbm:s6], $0xF7A  }
0x23: {  	s9 =	sor.u32 $0xD0000000, s2;
	s6 =	simm.s32 $0x108;
	_ =	swait.ge @!p0 [sflag:s8], $0x0  }
0x24: {  	s3 =	sadd.s32 $0x88, s3;
	s6 =	simm.s32 @!p1 $0x1082;
	[sflag:s4] =	ssyncset.s32 $0xFFFFF086  }
0x25: {  	[simem:s6], [sflag:s4] =	dma.local [hbm:s3], $0xF7A  }
0x26: {  	[smem:$0x3F9F] =	sst s1;
	(tag) =	ssettag s2;
	_ =	strace s9  }
0x27: {  	s1 =	sld [smem:$0x3FAF]  }
0x28: {  	s2 =	sld [smem:$0x3FB0]  }
0x29: {  	s4 =	sld [smem:$0x3FB2]  }
0x2a: {  	p0 =	seq.s32 s5, $0x0;
	s5 =	sld [smem:$0x3FB3]  }
0x2b: {  	s6 =	sld [smem:$0x3FB4]  }
0x2c: {  	s7 =	sld [smem:$0x3FB5]  }
0x2d: {  	s3 =	simm.s32 $0x108;
	s8 =	sld [smem:$0x3FB6]  }
0x2e: {  	s3 =	simm.s32 @!p0 $0x1082;
	s9 =	sld [smem:$0x3FB7]  }
0x2f: {  	lr =	sadd.s32 s0, s3;
	s0 =	sld [smem:$0x3FAE]  }
0x30: {  	s3 =	sld [smem:$0x3FB1]  }
0x31: {  	[smem:$0x3FBA] =	sst s10  }
0x32: {  	s10 =	sld [smem:$0x3FB8];
	_ =	sdelay $0x3  }
0x33: {  	p0 =	seq.s32 s10, $0x1;
	s10 =	sld [smem:$0x3FBA];
	_ =	sdelay $0x3  }
0x34: {  	[smem:$0x3FBA] =	sst s10  }
0x35: {  	s10 =	sld [smem:$0x3FB9];
	_ =	sdelay $0x3  }
0x36: {  	p1 =	seq.s32 s10, $0x1;
	s10 =	sld [smem:$0x3FBA];
	_ =	sdelay $0x3  }
0x37: {  	[smem:$0x3FBA] =	sst s10  }
0x38: {  	s10 =	sld [smem:$0x3FBB]  }
0x39: {  	_ = 	snop;
	(pc) =	sbr.ind lr, $3  }
0x3a: {  	_ = 	snop  }
0x3b: {  	_ = 	snop  }
0x3c: {  	p2 =	seq.s32 s10, $0x1;
	s10 =	sld [smem:$0x3FBA]  }
0x3d: {  	_ =	shalt  }
0x3e: {  	_ =	shalt  }
0x3f: {  	_ =	shalt  }
0x40: {  	_ =	shalt  }
0x41: {  	_ =	shalt  }
0x42: {  	_ =	shalt  }
0x43: {  	_ =	shalt  }
0x44: {  	_ =	shalt  }
0x45: {  	_ =	shalt  }
0x46: {  	_ =	shalt  }
0x47: {  	_ =	shalt  }
0x48: {  	_ =	shalt  }
0x49: {  	_ =	shalt  }
0x4a: {  	_ =	shalt  }
0x4b: {  	_ =	shalt  }
0x4c: {  	_ =	shalt  }
0x4d: {  	_ =	shalt  }
0x4e: {  	_ =	shalt  }
0x4f: {  	_ =	shalt  }
0x50: {  	_ =	shalt  }
0x51: {  	_ =	shalt  }
0x52: {  	_ =	shalt  }
0x53: {  	_ =	shalt  }
0x54: {  	_ =	shalt  }
0x55: {  	_ =	shalt  }
0x56: {  	_ =	shalt  }
0x57: {  	_ =	shalt  }
0x58: {  	_ =	shalt  }
0x59: {  	_ =	shalt  }
0x5a: {  	_ =	shalt  }
0x5b: {  	_ =	shalt  }
0x5c: {  	_ =	shalt  }
0x5d: {  	_ =	shalt  }
0x5e: {  	_ =	shalt  }
0x5f: {  	_ =	shalt  }
0x60: {  	_ =	shalt  }
0x61: {  	_ =	shalt  }
0x62: {  	_ =	shalt  }
0x63: {  	_ =	shalt  }
0x64: {  	_ =	shalt  }
0x65: {  	_ =	shalt  }
0x66: {  	_ =	shalt  }
0x67: {  	_ =	shalt  }
0x68: {  	_ =	shalt  }
0x69: {  	_ =	shalt  }
0x6a: {  	_ =	shalt  }
0x6b: {  	_ =	shalt  }
0x6c: {  	_ =	shalt  }
0x6d: {  	_ =	shalt  }
0x6e: {  	_ =	shalt  }
0x6f: {  	_ =	shalt  }
0x70: {  	_ =	shalt  }
0x71: {  	_ =	shalt  }
0x72: {  	_ =	shalt  }
0x73: {  	_ =	shalt  }
0x74: {  	_ =	shalt  }
0x75: {  	_ =	shalt  }
0x76: {  	_ =	shalt  }
0x77: {  	_ =	shalt  }
0x78: {  	_ =	shalt  }
0x79: {  	_ =	shalt  }
0x7a: {  	_ =	shalt  }
0x7b: {  	_ =	shalt  }
0x7c: {  	_ =	shalt  }
0x7d: {  	_ =	shalt  }
0x7e: {  	_ =	shalt  }
0x7f: {  	_ =	shalt  }
0x80: {  	_ =	shalt  }
0x81: {  	_ =	shalt  }
0x82: {  	_ =	shalt  }
0x83: {  	_ =	shalt  }
0x84: {  	_ =	shalt  }
0x85: {  	_ =	shalt  }
0x86: {  	_ =	shalt  }
0x87: {  	_ =	shalt  }
.Lfunc_end0:
.L_simem_size_0:
called_computation_lowered:
.L_overlay_start_0:
0x88: {  	s2 =	sld [smem:$0x3FD9]  }
0x89: {  	s3 =	sld [smem:$0x3FFE];
	_ =	sdelay $0x1  }
0x8a: {  	s1 =	srdreg.scid  }
0x8b: {  	s0 =	sand.u32 $0x1, s1  }
0x8c: {  	s18 =	sshll.u32 s0, $0xA;
	s2 =	sadd.s32 s3, s2  }
0x8d: {  	s2 =	sadd.s32 s2, s18  }
0x8e: {  	[smem:$0x3FC6] =	sst s2  }
0x8f: {  	_ = 	snop  }
0x90: {  	s2 =	sld [smem:$0x3FC9]  }
0x91: {  	s19 =	sld [smem:$0x3FC8]  }
0x92: {  	s4 =	sld [smem:$0x3FD0];
	(tm) =	ssettm $0x1  }
0x93: {  	s5 =	sld [smem:$0x3FFB];
	_ =	sdelay $0x3  }
0x94: {  	_ =	strace s5  }
0x95: {  	s5 =	sld [smem:$0x3FFC];
	_ =	sdelay $0x3  }
0x96: {  	_ =	strace s5  }
0x97: {  	s5 =	sld [smem:$0x3FFD];
	_ =	sdelay $0x3  }
0x98: {  	_ =	strace s5  }
0x99: {  	_ =	strace $0x8FFFFFFF  }
0x9a: {  	s20 =	sld [smem:$0x3FDB];
	_ =	sdelay $0x1  }
0x9b: {  	s6 =	simm.s32 $_scs_section_size  }
0x9c: {  	s7 =	simm.s32 $_size__tile_overlayer_lowered;
	s8 =	simm.s32 $_tile_overlayer_lowered  }
0x9d: {  	s23 =	simm.s32 $0x1BFF;
	s22 =	sshll.u32 s8, $0x1;
	s5 =	sadd.s32 s6, s20  }
0x9e: {  	s9 =	simm.s32 $0x0;
	s21 =	sshll.u32 s7, $0x1;
	s7 =	sadd.s32 s22, s5  }
0x9f: {  	[timem:s9], [sflag:s23] =	dma.local [hbm:s7], s21  }
0xa0: {  	_ =	swait.ge [sflag:s23], s21  }
0xa1: {  	s6 =	ssub.s32 $0x0, s21;
	[sflag:s23] =	ssyncset.done $0x0  }
0xa2: {  	[sflag:s23] =	ssyncadd.s32 s6;
	_ =	sdelay $0x1  }
0xa3: {  	s24 =	simm.s32 $0x1B8B  }
0xa4: {  	_ =	swait.ge [sflag:s24], $0x1  }
0xa5: {  	[sflag:s24] =	ssyncset.done $0x0  }
0xa6: {  	s25 =	simm.s32 $0x1B8E;
	[sflag:s24] =	ssyncadd.s32 $0xFFFFFFFF  }
0xa7: {  	s26 =	simm.s32 $execute0_lowered;
	[smem:$0x3FD2] =	sst s25  }
0xa8: {  	s6 =	sshll.u32 s26, $0x1;
	_ =	strace $0x80000046;
	[dreg:$0x1] =	wrdreg $0xFFFFFFFF  }
0xa9: {  	s28 =	simm.s32 $_size_execute0_lowered;
	s5 =	sadd.s32 s5, s6;
	[dreg:$0x0] =	wrdreg $0x0  }
0xaa: {  	s6 =	sshll.u32 s28, $0x1;
	[dreg:$0x2] =	wrdreg s5  }
0xab: {  	[dreg:$0x3] =	wrdreg s6  }
0xac: {  	[dreg:$0x4] =	wrdreg $0xC0  }
0xad: {  	_ =	task [dreg:s9], $0x5FFFF  }
0xae: {  	[dreg:$0x1] =	wrdreg $0xFFFFFFFF  }
0xaf: {  	[dreg:$0x0] =	wrdreg $0x60  }
0xb0: {  	[dreg:$0x2] =	wrdreg s2  }
0xb1: {  	[dreg:$0x3] =	wrdreg s19  }
0xb2: {  	[dreg:$0x4] =	wrdreg s4  }
0xb3: {  	[dreg:$0x5] =	wrdreg $0x9  }
0xb4: {  	_ =	task.clear_ibuf [dreg:s9], $0x6FFFF;
	_ =	strace $0x90000046  }
0xb5: {  	s29 =	simm.s32 $0x9;
	_ =	strace $0x80000048  }
0xb6: {  	_ =	swait.ge [sflag:s29], $0x1  }
0xb7: {  	[sflag:s29] =	ssyncadd.s32 $0xFFFFFFFF  }
0xb8: {  	_ =	strace $0x90000048  }
0xb9: {  	_ =	sfence  }
0xba: {  	s30 =	sld [smem:$0x0];
	_ =	sdelay $0x2  }
0xbb: {  	s31 =	sshll.u32 s1, $0xD;
	s1 =	sshrl.u32 s1, $0x2  }
0xbc: {  	s3 =	sand.u32 $0x4000, s31;
	s1 =	sadd.s32 s1, s30  }
0xbd: {  	s0 =	sor.u32 s3, s0;
	s1 =	sshll.u32 s1, $0x11  }
0xbe: {  	s0 =	sor.u32 s1, s0  }
0xbf: {  	s0 =	sadd.s32 $0x8F2B, s0  }
0xc0: {  	[sflag:s0] =	ssyncadd.remote.s32 $0x1  }
0xc1: {  	_ =	sfence.sel $0xFFFF  }
0xc2: {  	[dreg:$0x0] =	wrdreg $0xFFFFFFFF;
	(pc) =	sbr.abs _section_cstart, $3  }
0xc3: {  	[dreg:$0x1] =	wrdreg $0xFFFFFFFF  }
0xc4: {  	_ =	task.clear_ibuf [dreg:s9], $0x2FFFF;
	_ =	strace $0x9FFFFFFF  }
0xc5: {  	(tm) =	ssettm $0x7FFFFFFF  }
tec
execute0_lowered:
.L_overlay_start_1:
0x0: {  	(tag) =	ssettag $0x1  }
0x1: {  	s1 =	rddreg [dreg:$0x0]  }
0x2: {  	s2 =	rddreg [dreg:$0x1]  }
0x3: {  	s3 =	rddreg [dreg:$0x2]  }
0x4: {  	s4 =	srdreg.scid;
	s0 =	rddreg [dreg:$0x3];
	s5 =	simm.s32 $0x0  }
0x5: {  	s10 =	simm.s32 $0x1000;
	s11 =	simm.s32 $0x9000;
	s12 =	simm.s32 $0x1  }
0x6: {  	s13 =	simm.s32 $0x2;
	s14 =	simm.s32 $0x0;
	s6 =	sand.u32 $0x1, s4  }
0x7: {  	s4 =	stileid.u32;
	[smem:$0x7FF] =	sst s5;
	s7 =	ssub.s32 $0x2, s6  }
0x8: {  	s9 =	sshll.u32 s4, $0x1;
	_ =	strace $0x80000047;
	s8 =	sshrl.u32 s7, $0x1  }
0x9: {  	v0 =	vlaneseq.u32;
	s6 =	sor.u32 s6, s9;
	s9 =	simm.s32 $0x800;
	s7 =	ssub.s32 s7, s8  }
0xa: {  	v0 =	vmul.u32 $0x80, v0;
	s6 =	smul.u32 $0x19000, s6;
	s8 =	simm.s32 $0x3;
	s7 =	smax.u32 s7, $0x1  }
.LBB2_1:
0xb: {  	[tilespmem:s5], [sflag:$0x3] =	stream.linear.gather [hbm4b:s2+s5], $0x500, $0x38;
	[tilespmem:$0x11000] =	vst v63  }
0xc: {  	_ =	swait.ge [sflag:s8], $0x500  }
0xd: {  	[sflag:s8] =	ssyncset.done $0x0  }
0xe: {  	s15 =	simm.s32 $0x0;
	[sflag:s8] =	ssyncadd.s32 $0xFFFFFB00  }
.LBB2_2:
0xf: {  	s16 =	sshll.u32 s15, $0xB  }
0x10: {  	s16 =	sadd.s32 s6, s16  }
0x11: {  	s17 =	sshrl.u32 s16, $0x3  }
0x12: {  	s18 =	sadd.s32 s1, s17;
	s17 =	simm.s32 $0x0  }
0x13: {  	[tilespmem:s9], [sflag:$0x3] =	stream.linear.gather [hbm4b:s18+s17], $0x800, $0x38;
	[tilespmem:$0x11000] =	vst v63  }
0x14: {  	_ =	swait.ge [sflag:s8], $0x800  }
0x15: {  	[sflag:s8] =	ssyncset.done $0x0  }
0x16: {  	[sflag:s8] =	ssyncadd.s32 $0xFFFFF800  }
.LBB2_3:
0x17: {  	s18 =	sor.u32 s15, s17  }
0x18: {  	p0 =	seq.s32 s18, $0x0  }
0x19: {  	s20 =	simm.s32 @!p0 $0x1  }
0x1a: {  	_ =	swait.ge @!p0 [sflag:s20], $0x8000  }
0x1b: {  	s21 =	simm.s32 $0x0;
	s18 =	sshll.u32 s17, $0x9;
	[sflag:s20] =	ssyncset.done @!p0 $0x0  }
0x1c: {  	s19 =	sadd.s32 s16, s18;
	[sflag:s20] =	ssyncadd.s32 @!p0 $0xFFFF8000;
	s20 =	sadd.s32 $0x800, s18  }
.LBB2_4:
0x1d: {  	s22 =	sshll.u32 s21, $0x4  }
0x1e: {  	s23 =	sand.u32 $0x80, s22  }
0x1f: {  	s25 =	simm.s32 $0x7;
	s24 =	sand.u32 $0x70, s22;
	s23 =	sadd.s32 s23, s20  }
0x20: {  	s26 =	simm.s32 $0x5;
	s28 =	simm.s32 $0x4;
	v2 =	vmov s22;
	s23 =	sadd.s32 s24, s23  }
0x21: {  	s29 =	simm.s32 $0x3;
	s30 =	simm.s32 $0x2;
	s31 =	simm.s32 $0x1;
	v5 =	vmov s25;
	v6 =	vmov s26;
	v8 =	vmov s28;
	v1 =	vld [tilespmem:s23+$0x0]  }
0x22: {  	v11 =	vmov s29;
	v13 =	vmov s30;
	v14 =	vmov s31;
	s23 =	simm.s32 $0x0  }
0x23: {  	v2 =	vshll.u32 v2, $0x7;
	v5 =	vand.u32 $0x7F, v5;
	v3 =	vmov s23  }
0x24: {  	v6 =	vand.u32 $0x7D, v6;
	v8 =	vand.u32 $0x7C, v8;
	s24 =	simm.s32 $0x6;
	v3 =	vand.u32 $0x78, v3  }
0x25: {  	v11 =	vand.u32 $0x7B, v11;
	v4 =	vmov s24;
	v3 =	vbroadcast v3, $0x0  }
0x26: {  	v5 =	vbroadcast v5, $0x0;
	v4 =	vand.u32 $0x7E, v4;
	v1 =	vshll.u32 v1, $0x7  }
0x27: {  	v13 =	vand.u32 $0x7A, v13;
	v4 =	vbroadcast v4, $0x0;
	v7 =	vor.u32 v1, v3  }
0x28: {  	v14 =	vand.u32 $0x79, v14;
	v6 =	vbroadcast v6, $0x0;
	v10 =	vor.u32 v1, v5  }
0x29: {  	v8 =	vbroadcast v8, $0x0;
	v11 =	vbroadcast v11, $0x0;
	v9 =	vor.u32 v1, v4  }
0x2a: {  	v13 =	vbroadcast v13, $0x0;
	v2 =	vor.u32 v0, v2;
	v12 =	vor.u32 v1, v6  }
0x2b: {  	v14 =	vbroadcast v14, $0x0;
	v20 =	vor.u32 v2, v5;
	v15 =	vor.u32 v1, v8  }
0x2c: {  	v23 =	vor.u32 v2, v6;
	v17 =	vor.u32 v2, v3;
	v16 =	vor.u32 v1, v11;
	v7 =	vld.idx.msk [tilespmem:v7+s5+$0x0], $0xffff  }
0x2d: {  	s24 =	simm.s32 $0x8;
	v25 =	vor.u32 v2, v8;
	v27 =	vor.u32 v2, v11;
	v18 =	vor.u32 v1, v13;
	v10 =	vld.idx.msk [tilespmem:v10+s5+$0x0], $0xffff  }
0x2e: {  	s25 =	simm.s32 $0xF;
	s28 =	simm.s32 $0xD;
	v21 =	vor.u32 v2, v4;
	v3 =	vmov s24;
	v19 =	vor.u32 v1, v14;
	v9 =	vld.idx.msk [tilespmem:v9+s5+$0x0], $0xffff  }
0x2f: {  	v5 =	vmov s25;
	v6 =	vmov s28;
	v8 =	vor.u32 v2, v14;
	v22 =	vld.idx.msk [tilespmem:v12+s5+$0x0], $0xffff  }
0x30: {  	s26 =	simm.s32 $0xE;
	v3 =	vand.u32 $0x78, v3;
	v4 =	vand.u32 $0x7F, v5;
	v6 =	vand.u32 $0x7D, v6;
	v24 =	vld.idx.msk [tilespmem:v15+s5+$0x0], $0xffff  }
0x31: {  	v5 =	vmov s26;
	v3 =	vbroadcast v3, $0x0;
	v6 =	vbroadcast v6, $0x0;
	v26 =	vld.idx.msk [tilespmem:v16+s5+$0x0], $0xffff;
	[tilespmem:v17+s10+$0x0] =	vst.idx.msk $0xffff, v7  }
0x32: {  	v4 =	vbroadcast v4, $0x0;
	v5 =	vand.u32 $0x7E, v5;
	v11 =	vld.idx.msk [tilespmem:v18+s5+$0x0], $0xffff;
	v7 =	vor.u32 v2, v13;
	[tilespmem:v20+s10+$0x0] =	vst.idx.msk $0xffff, v10  }
0x33: {  	s29 =	simm.s32 $0xC;
	v5 =	vbroadcast v5, $0x0;
	v14 =	vor.u32 v1, v6;
	[tilespmem:v21+s10+$0x0] =	vst.idx.msk $0xffff, v9;
	v13 =	vld.idx.msk [tilespmem:v19+s5+$0x0], $0xffff  }
0x34: {  	s30 =	simm.s32 $0xB;
	s31 =	simm.s32 $0xA;
	v12 =	vor.u32 v1, v3;
	v15 =	vor.u32 v1, v4;
	v10 =	vmov s29;
	[tilespmem:v23+s10+$0x0] =	vst.idx.msk $0xffff, v22  }
0x35: {  	v16 =	vmov s31;
	v17 =	vmov s30;
	[tilespmem:v25+s10+$0x0] =	vst.idx.msk $0xffff, v24;
	v10 =	vand.u32 $0x7C, v10  }
0x36: {  	s22 =	simm.s32 $0x10;
	s23 =	simm.s32 $0x9;
	v9 =	vor.u32 v1, v5;
	[tilespmem:v27+s10+$0x0] =	vst.idx.msk $0xffff, v26;
	v17 =	vand.u32 $0x7B, v17;
	v10 =	vbroadcast v10, $0x0  }
.LBB2_5:
0x37: {  	p1 =	slt.u32 s22, $0x78;
	v18 =	vmov s23;
	v16 =	vand.u32 $0x7A, v16;
	v17 =	vbroadcast v17, $0x0;
	[tilespmem:v7+s10+$0x0] =	vst.idx.msk $0xffff, v11  }
0x38: {  	v7 =	vand.u32 $0x79, v18;
	v16 =	vbroadcast v16, $0x0;
	v11 =	vor.u32 v1, v10;
	[tilespmem:v8+s10+$0x0] =	vst.idx.msk $0xffff, v13  }
0x39: {  	v8 =	vld.idx.msk [tilespmem:v12+s5+$0x0], $0xffff;
	v18 =	vbroadcast v7, $0x0;
	v7 =	vor.u32 v1, v17  }
0x3a: {  	v12 =	vor.u32 v2, v3;
	v13 =	vor.u32 v1, v16;
	v15 =	vld.idx.msk [tilespmem:v15+s5+$0x0], $0xffff  }
0x3b: {  	s23 =	sadd.s32 $0x7, s22;
	v20 =	vor.u32 v2, v4;
	v3 =	vmov s22;
	v19 =	vor.u32 v1, v18;
	v9 =	vld.idx.msk [tilespmem:v9+s5+$0x0], $0xffff  }
0x3c: {  	v21 =	vor.u32 v2, v5;
	v4 =	vmov s23;
	v3 =	vand.u32 $0x78, v3;
	v14 =	vld.idx.msk [tilespmem:v14+s5+$0x0], $0xffff  }
0x3d: {  	v23 =	vor.u32 v2, v6;
	s23 =	sadd.s32 $0x6, s22;
	v4 =	vand.u32 $0x7F, v4;
	v3 =	vbroadcast v3, $0x0;
	v22 =	vld.idx.msk [tilespmem:v11+s5+$0x0], $0xffff  }
0x3e: {  	s24 =	sadd.s32 $0x5, s22;
	v10 =	vor.u32 v2, v10;
	v5 =	vmov s23;
	v4 =	vbroadcast v4, $0x0;
	v24 =	vld.idx.msk [tilespmem:v7+s5+$0x0], $0xffff  }
0x3f: {  	v6 =	vmov s24;
	v25 =	vor.u32 v2, v17;
	v5 =	vand.u32 $0x7E, v5;
	[tilespmem:v12+s10+$0x0] =	vst.idx.msk $0xffff, v8;
	v11 =	vld.idx.msk [tilespmem:v13+s5+$0x0], $0xffff  }
.Ltmp0:
0x40: {  	v6 =	vand.u32 $0x7D, v6;
	v5 =	vbroadcast v5, $0x0;
	v7 =	vor.u32 v2, v16;
	v13 =	vld.idx.msk [tilespmem:v19+s5+$0x0], $0xffff;
	[tilespmem:v20+s10+$0x0] =	vst.idx.msk $0xffff, v15;
	(pc) =	sbr.rel @p1 .LBB2_5-.Ltmp0, $4  }
0x41: {  	s23 =	sadd.s32 $0x4, s22;
	v6 =	vbroadcast v6, $0x0;
	v12 =	vor.u32 v1, v3;
	v8 =	vor.u32 v2, v18;
	[tilespmem:v21+s10+$0x0] =	vst.idx.msk $0xffff, v9  }
0x42: {  	s24 =	sadd.s32 $0x3, s22;
	v16 =	vmov s23;
	v15 =	vor.u32 v1, v4;
	v9 =	vor.u32 v1, v5;
	[tilespmem:v23+s10+$0x0] =	vst.idx.msk $0xffff, v14  }
0x43: {  	s25 =	sadd.s32 $0x2, s22;
	v17 =	vmov s24;
	v18 =	vand.u32 $0x7C, v16;
	v14 =	vor.u32 v1, v6;
	[tilespmem:v10+s10+$0x0] =	vst.idx.msk $0xffff, v22  }
0x44: {  	v17 =	vand.u32 $0x7B, v17;
	s23 =	sadd.s32 $0x1, s22;
	s22 =	sadd.s32 $0x8, s22;
	v16 =	vmov s25;
	v10 =	vbroadcast v18, $0x0;
	[tilespmem:v25+s10+$0x0] =	vst.idx.msk $0xffff, v24  }
0x45: {  	_ =	sdelay $0x1  }
0x46: {  	v18 =	vmov s23;
	v16 =	vand.u32 $0x7A, v16;
	v17 =	vbroadcast v17, $0x0  }
0x47: {  	v18 =	vand.u32 $0x79, v18;
	v16 =	vbroadcast v16, $0x0;
	v19 =	vor.u32 v1, v10  }
0x48: {  	v12 =	vld.idx.msk [tilespmem:v12+s5+$0x0], $0xffff;
	v3 =	vor.u32 v2, v3;
	v18 =	vbroadcast v18, $0x0;
	v20 =	vor.u32 v1, v17  }
0x49: {  	v15 =	vld.idx.msk [tilespmem:v15+s5+$0x0], $0xffff;
	v4 =	vor.u32 v2, v4;
	v21 =	vor.u32 v1, v16  }
0x4a: {  	v9 =	vld.idx.msk [tilespmem:v9+s5+$0x0], $0xffff;
	v5 =	vor.u32 v2, v5;
	v1 =	vor.u32 v1, v18  }
0x4b: {  	[tilespmem:v7+s10+$0x0] =	vst.idx.msk $0xffff, v11;
	v58 =	vld.idx.msk [tilespmem:v14+s5+$0x0], $0xffff;
	v6 =	vor.u32 v2, v6  }
0x4c: {  	[tilespmem:v8+s10+$0x0] =	vst.idx.msk $0xffff, v13;
	v60 =	vor.u32 v2, v10;
	v59 =	vld.idx.msk [tilespmem:v19+s5+$0x0], $0xffff  }
0x4d: {  	[tilespmem:v3+s10+$0x0] =	vst.idx.msk $0xffff, v12;
	v3 =	vor.u32 v2, v17;
	v61 =	vld.idx.msk [tilespmem:v20+s5+$0x0], $0xffff  }
0x4e: {  	s21 =	sadd.s32 $0x1, s21;
	v63 =	vor.u32 v2, v16;
	[tilespmem:v4+s10+$0x0] =	vst.idx.msk $0xffff, v15;
	v62 =	vld.idx.msk [tilespmem:v21+s5+$0x0], $0xffff  }
0x4f: {  	p1 =	sne.s32 s21, $0x10;
	v2 =	vor.u32 v2, v18;
	[tilespmem:v5+s10+$0x0] =	vst.idx.msk $0xffff, v9;
	v1 =	vld.idx.msk [tilespmem:v1+s5+$0x0], $0xffff  }
.Ltmp1:
0x50: {  	[tilespmem:v6+s10+$0x0] =	vst.idx.msk $0xffff, v58;
	(pc) =	sbr.rel @p1 .LBB2_4-.Ltmp1, $4  }
0x51: {  	[tilespmem:v60+s10+$0x0] =	vst.idx.msk $0xffff, v59  }
0x52: {  	[tilespmem:v3+s10+$0x0] =	vst.idx.msk $0xffff, v61  }
0x53: {  	[tilespmem:v63+s10+$0x0] =	vst.idx.msk $0xffff, v62  }
0x54: {  	[tilespmem:v2+s10+$0x0] =	vst.idx.msk $0xffff, v1  }
0x55: {  	s19 =	sshll.u32 s19, $0x4  }
0x56: {  	s19 =	sadd.s32 s3, s19  }
0x57: {  	[hbm4b:s19+s5] =	stream.linear.scatter [tilespmem:s10], [sflag:$0x1], $0x8000, $0x38;
	[tilespmem:$0x11000] =	vst v63  }
0x58: {  	s19 =	simm.s32 @!p0 $0x2  }
0x59: {  	s20 =	sor.u32 $0x100, s18;
	_ =	swait.ge @!p0 [sflag:s19], $0x8000  }
0x5a: {  	s21 =	simm.s32 $0x0;
	s18 =	sadd.s32 s16, s20;
	[sflag:s19] =	ssyncset.done @!p0 $0x0  }
0x5b: {  	[sflag:s19] =	ssyncadd.s32 @!p0 $0xFFFF8000;
	s19 =	sadd.s32 $0x800, s20;
	s20 =	simm.s32 $0x0  }
.LBB2_8:
0x5c: {  	s22 =	sshll.u32 s21, $0x4  }
0x5d: {  	s23 =	sand.u32 $0x80, s22  }
0x5e: {  	s24 =	sand.u32 $0x70, s22;
	s23 =	sadd.s32 s23, s19  }
0x5f: {  	v3 =	vmov s20;
	s25 =	simm.s32 $0x7;
	s23 =	sadd.s32 s24, s23  }
0x60: {  	s26 =	simm.s32 $0x5;
	s28 =	simm.s32 $0x4;
	s29 =	simm.s32 $0x3;
	v2 =	vmov s22;
	v3 =	vand.u32 $0x78, v3;
	v5 =	vmov s25;
	v1 =	vld [tilespmem:s23+$0x0]  }
0x61: {  	s30 =	simm.s32 $0x2;
	s31 =	simm.s32 $0x1;
	v6 =	vmov s26;
	v8 =	vmov s28;
	v11 =	vmov s29  }
0x62: {  	v13 =	vmov s30;
	v14 =	vmov s31;
	v2 =	vshll.u32 v2, $0x7  }
0x63: {  	v3 =	vbroadcast v3, $0x0;
	v5 =	vand.u32 $0x7F, v5;
	v6 =	vand.u32 $0x7D, v6;
	s24 =	simm.s32 $0x6  }
0x64: {  	v8 =	vand.u32 $0x7C, v8;
	v11 =	vand.u32 $0x7B, v11;
	v4 =	vmov s24  }
0x65: {  	v5 =	vbroadcast v5, $0x0;
	v4 =	vand.u32 $0x7E, v4;
	v1 =	vshll.u32 v1, $0x7  }
0x66: {  	v13 =	vand.u32 $0x7A, v13;
	v4 =	vbroadcast v4, $0x0;
	v7 =	vor.u32 v1, v3  }
0x67: {  	v14 =	vand.u32 $0x79, v14;
	v6 =	vbroadcast v6, $0x0;
	v10 =	vor.u32 v1, v5  }
0x68: {  	v8 =	vbroadcast v8, $0x0;
	v11 =	vbroadcast v11, $0x0;
	v9 =	vor.u32 v1, v4  }
0x69: {  	v13 =	vbroadcast v13, $0x0;
	v2 =	vor.u32 v0, v2;
	v12 =	vor.u32 v1, v6  }
0x6a: {  	v14 =	vbroadcast v14, $0x0;
	v17 =	vor.u32 v2, v3;
	v15 =	vor.u32 v1, v8  }
0x6b: {  	v20 =	vor.u32 v2, v5;
	v23 =	vor.u32 v2, v6;
	v16 =	vor.u32 v1, v11;
	v7 =	vld.idx.msk [tilespmem:v7+s5+$0x0], $0xffff  }
0x6c: {  	s24 =	simm.s32 $0x8;
	v25 =	vor.u32 v2, v8;
	v27 =	vor.u32 v2, v11;
	v18 =	vor.u32 v1, v13;
	v10 =	vld.idx.msk [tilespmem:v10+s5+$0x0], $0xffff  }
0x6d: {  	s25 =	simm.s32 $0xF;
	s28 =	simm.s32 $0xD;
	v21 =	vor.u32 v2, v4;
	v3 =	vmov s24;
	v19 =	vor.u32 v1, v14;
	v9 =	vld.idx.msk [tilespmem:v9+s5+$0x0], $0xffff  }
0x6e: {  	v5 =	vmov s25;
	v6 =	vmov s28;
	v8 =	vor.u32 v2, v14;
	v22 =	vld.idx.msk [tilespmem:v12+s5+$0x0], $0xffff  }
0x6f: {  	s26 =	simm.s32 $0xE;
	v3 =	vand.u32 $0x78, v3;
	v4 =	vand.u32 $0x7F, v5;
	v6 =	vand.u32 $0x7D, v6;
	v24 =	vld.idx.msk [tilespmem:v15+s5+$0x0], $0xffff  }
0x70: {  	v5 =	vmov s26;
	v3 =	vbroadcast v3, $0x0;
	v6 =	vbroadcast v6, $0x0;
	v26 =	vld.idx.msk [tilespmem:v16+s5+$0x0], $0xffff;
	[tilespmem:v17+s11+$0x0] =	vst.idx.msk $0xffff, v7  }
0x71: {  	v4 =	vbroadcast v4, $0x0;
	v5 =	vand.u32 $0x7E, v5;
	v11 =	vld.idx.msk [tilespmem:v18+s5+$0x0], $0xffff;
	v7 =	vor.u32 v2, v13;
	[tilespmem:v20+s11+$0x0] =	vst.idx.msk $0xffff, v10  }
0x72: {  	s29 =	simm.s32 $0xC;
	v5 =	vbroadcast v5, $0x0;
	v14 =	vor.u32 v1, v6;
	[tilespmem:v21+s11+$0x0] =	vst.idx.msk $0xffff, v9;
	v13 =	vld.idx.msk [tilespmem:v19+s5+$0x0], $0xffff  }
0x73: {  	s30 =	simm.s32 $0xB;
	s31 =	simm.s32 $0xA;
	v12 =	vor.u32 v1, v3;
	v15 =	vor.u32 v1, v4;
	v10 =	vmov s29;
	[tilespmem:v23+s11+$0x0] =	vst.idx.msk $0xffff, v22  }
0x74: {  	v16 =	vmov s31;
	v17 =	vmov s30;
	[tilespmem:v25+s11+$0x0] =	vst.idx.msk $0xffff, v24;
	v10 =	vand.u32 $0x7C, v10  }
0x75: {  	s22 =	simm.s32 $0x10;
	s23 =	simm.s32 $0x9;
	v9 =	vor.u32 v1, v5;
	[tilespmem:v27+s11+$0x0] =	vst.idx.msk $0xffff, v26;
	v17 =	vand.u32 $0x7B, v17;
	v10 =	vbroadcast v10, $0x0  }
.LBB2_9:
0x76: {  	p0 =	slt.u32 s22, $0x78;
	v18 =	vmov s23;
	v16 =	vand.u32 $0x7A, v16;
	v17 =	vbroadcast v17, $0x0;
	[tilespmem:v7+s11+$0x0] =	vst.idx.msk $0xffff, v11  }
0x77: {  	v7 =	vand.u32 $0x79, v18;
	v16 =	vbroadcast v16, $0x0;
	v11 =	vor.u32 v1, v10;
	[tilespmem:v8+s11+$0x0] =	vst.idx.msk $0xffff, v13  }
0x78: {  	v8 =	vld.idx.msk [tilespmem:v12+s5+$0x0], $0xffff;
	v18 =	vbroadcast v7, $0x0;
	v7 =	vor.u32 v1, v17  }
0x79: {  	v12 =	vor.u32 v2, v3;
	v13 =	vor.u32 v1, v16;
	v15 =	vld.idx.msk [tilespmem:v15+s5+$0x0], $0xffff  }
0x7a: {  	s23 =	sadd.s32 $0x7, s22;
	v20 =	vor.u32 v2, v4;
	v3 =	vmov s22;
	v19 =	vor.u32 v1, v18;
	v9 =	vld.idx.msk [tilespmem:v9+s5+$0x0], $0xffff  }
0x7b: {  	v21 =	vor.u32 v2, v5;
	v4 =	vmov s23;
	v3 =	vand.u32 $0x78, v3;
	v14 =	vld.idx.msk [tilespmem:v14+s5+$0x0], $0xffff  }
0x7c: {  	v23 =	vor.u32 v2, v6;
	s23 =	sadd.s32 $0x6, s22;
	v4 =	vand.u32 $0x7F, v4;
	v3 =	vbroadcast v3, $0x0;
	v22 =	vld.idx.msk [tilespmem:v11+s5+$0x0], $0xffff  }
0x7d: {  	s24 =	sadd.s32 $0x5, s22;
	v10 =	vor.u32 v2, v10;
	v5 =	vmov s23;
	v4 =	vbroadcast v4, $0x0;
	v24 =	vld.idx.msk [tilespmem:v7+s5+$0x0], $0xffff  }
0x7e: {  	v6 =	vmov s24;
	v25 =	vor.u32 v2, v17;
	v5 =	vand.u32 $0x7E, v5;
	[tilespmem:v12+s11+$0x0] =	vst.idx.msk $0xffff, v8;
	v11 =	vld.idx.msk [tilespmem:v13+s5+$0x0], $0xffff  }
.Ltmp2:
0x7f: {  	v6 =	vand.u32 $0x7D, v6;
	v5 =	vbroadcast v5, $0x0;
	v7 =	vor.u32 v2, v16;
	v13 =	vld.idx.msk [tilespmem:v19+s5+$0x0], $0xffff;
	[tilespmem:v20+s11+$0x0] =	vst.idx.msk $0xffff, v15;
	(pc) =	sbr.rel @p0 .LBB2_9-.Ltmp2, $4  }
0x80: {  	s23 =	sadd.s32 $0x4, s22;
	v6 =	vbroadcast v6, $0x0;
	v12 =	vor.u32 v1, v3;
	v8 =	vor.u32 v2, v18;
	[tilespmem:v21+s11+$0x0] =	vst.idx.msk $0xffff, v9  }
0x81: {  	s24 =	sadd.s32 $0x3, s22;
	v16 =	vmov s23;
	v15 =	vor.u32 v1, v4;
	v9 =	vor.u32 v1, v5;
	[tilespmem:v23+s11+$0x0] =	vst.idx.msk $0xffff, v14  }
0x82: {  	s25 =	sadd.s32 $0x2, s22;
	v17 =	vmov s24;
	v18 =	vand.u32 $0x7C, v16;
	v14 =	vor.u32 v1, v6;
	[tilespmem:v10+s11+$0x0] =	vst.idx.msk $0xffff, v22  }
0x83: {  	v17 =	vand.u32 $0x7B, v17;
	s23 =	sadd.s32 $0x1, s22;
	s22 =	sadd.s32 $0x8, s22;
	v16 =	vmov s25;
	v10 =	vbroadcast v18, $0x0;
	[tilespmem:v25+s11+$0x0] =	vst.idx.msk $0xffff, v24  }
0x84: {  	_ =	sdelay $0x1  }
0x85: {  	v18 =	vmov s23;
	v16 =	vand.u32 $0x7A, v16;
	v17 =	vbroadcast v17, $0x0  }
0x86: {  	v18 =	vand.u32 $0x79, v18;
	v16 =	vbroadcast v16, $0x0;
	v19 =	vor.u32 v1, v10  }
0x87: {  	v12 =	vld.idx.msk [tilespmem:v12+s5+$0x0], $0xffff;
	v3 =	vor.u32 v2, v3;
	v18 =	vbroadcast v18, $0x0;
	v20 =	vor.u32 v1, v17  }
0x88: {  	v15 =	vld.idx.msk [tilespmem:v15+s5+$0x0], $0xffff;
	v4 =	vor.u32 v2, v4;
	v21 =	vor.u32 v1, v16  }
0x89: {  	v9 =	vld.idx.msk [tilespmem:v9+s5+$0x0], $0xffff;
	v5 =	vor.u32 v2, v5;
	v1 =	vor.u32 v1, v18  }
0x8a: {  	[tilespmem:v7+s11+$0x0] =	vst.idx.msk $0xffff, v11;
	v58 =	vld.idx.msk [tilespmem:v14+s5+$0x0], $0xffff;
	v6 =	vor.u32 v2, v6  }
0x8b: {  	[tilespmem:v8+s11+$0x0] =	vst.idx.msk $0xffff, v13;
	v60 =	vor.u32 v2, v10;
	v59 =	vld.idx.msk [tilespmem:v19+s5+$0x0], $0xffff  }
0x8c: {  	[tilespmem:v3+s11+$0x0] =	vst.idx.msk $0xffff, v12;
	v3 =	vor.u32 v2, v17;
	v61 =	vld.idx.msk [tilespmem:v20+s5+$0x0], $0xffff  }
0x8d: {  	s21 =	sadd.s32 $0x1, s21;
	v63 =	vor.u32 v2, v16;
	[tilespmem:v4+s11+$0x0] =	vst.idx.msk $0xffff, v15;
	v62 =	vld.idx.msk [tilespmem:v21+s5+$0x0], $0xffff  }
0x8e: {  	p0 =	sne.s32 s21, $0x10;
	v2 =	vor.u32 v2, v18;
	[tilespmem:v5+s11+$0x0] =	vst.idx.msk $0xffff, v9;
	v1 =	vld.idx.msk [tilespmem:v1+s5+$0x0], $0xffff  }
.Ltmp3:
0x8f: {  	[tilespmem:v6+s11+$0x0] =	vst.idx.msk $0xffff, v58;
	(pc) =	sbr.rel @p0 .LBB2_8-.Ltmp3, $4  }
0x90: {  	[tilespmem:v60+s11+$0x0] =	vst.idx.msk $0xffff, v59  }
0x91: {  	[tilespmem:v3+s11+$0x0] =	vst.idx.msk $0xffff, v61  }
0x92: {  	[tilespmem:v63+s11+$0x0] =	vst.idx.msk $0xffff, v62  }
0x93: {  	[tilespmem:v2+s11+$0x0] =	vst.idx.msk $0xffff, v1  }
0x94: {  	s17 =	sadd.s32 $0x1, s17  }
0x95: {  	p0 =	sne.s32 s17, $0x4  }
.Ltmp4:
0x96: {  	_ = 	snop;
	(pc) =	sbr.rel @p0 .LBB2_3-.Ltmp4, $4  }
0x97: {  	_ = 	snop  }
0x98: {  	s18 =	sshll.u32 s18, $0x4  }
0x99: {  	s18 =	sadd.s32 s3, s18  }
0x9a: {  	[hbm4b:s18+s5] =	stream.linear.scatter [tilespmem:s11], [sflag:$0x2], $0x8000, $0x38;
	[tilespmem:$0x11000] =	vst v63  }
0x9b: {  	s15 =	sadd.s32 $0x1, s15  }
0x9c: {  	p0 =	sne.s32 s15, $0x32  }
.Ltmp5:
0x9d: {  	_ = 	snop;
	(pc) =	sbr.rel @p0 .LBB2_2-.Ltmp5, $1  }
0x9e: {  	_ =	sdelay $0x3  }
0x9f: {  	s14 =	sadd.s32 $0x1, s14  }
0xa0: {  	_ =	swait.ge [sflag:s12], $0x8000;
	p0 =	sne.s32 s14, s7  }
.Ltmp6:
0xa1: {  	[sflag:s12] =	ssyncset.done $0x0;
	(pc) =	sbr.rel @p0 .LBB2_1-.Ltmp6, $4  }
0xa2: {  	[sflag:s12] =	ssyncadd.s32 $0xFFFF8000  }
0xa3: {  	_ =	swait.ge [sflag:s13], $0x8000  }
0xa4: {  	[sflag:s13] =	ssyncset.done $0x0  }
0xa5: {  	[sflag:s13] =	ssyncadd.s32 $0xFFFF8000  }
0xa6: {  	_ =	sfence.sel $0x180000  }
0xa7: {  	[bflag:$0x0] =	sbarrier.arrive $0xFFFF  }
0xa8: {  	p0 =	sne.s32 s4, $0x0;
	_ =	strace $0x90000047  }
0xa9: {  	s0 =	sadd.s32 @!p0 $0x100000, s0;
	[bflag:$0x2] =	sbarrier.arrive $0xFFFF  }
0xaa: {  	[sflag:s0] =	ssyncadd.tile.s32 @!p0 $0x1;
	_ =	shalt  }
.Lfunc_end2:
_tile_overlayer_lowered:
.L_overlay_start_2:
0xab: {  	(tag) =	ssettag $0x2  }
0xac: {  	s0 =	rddreg [dreg:$0x0];
	s2 =	stileid.u32  }
0xad: {  	s1 =	rddreg [dreg:$0x1];
	p0 =	sne.s32 s2, $0x0  }
0xae: {  	s3 =	rddreg [dreg:$0x2];
	[bflag:$0x3] =	sbarrier.arrive $0xFFFF;
	s2 =	simm.s32 @!p0 $0x1C03  }
0xaf: {  	[timem:s3], [sflag:s2] =	dma.local @!p0 [hbm:s0], s1  }
0xb0: {  	s0 =	simm.s32 @!p0 $0x3  }
0xb1: {  	_ =	swait.ge @!p0 [sflag:s0], s1  }
0xb2: {  	s1 =	ssub.s32 @!p0 $0x0, s1;
	[sflag:s0] =	ssyncset.done @!p0 $0x0  }
0xb3: {  	[sflag:s0] =	ssyncadd.s32 @!p0 s1  }
0xb4: {  	[bflag:$0x3] =	sbarrier.arrive $0xFFFF  }
0xb5: {  	_ =	shalt  }

</sc_bundles>
